<compile_context>
chip_gen: v7x
topology: tpu7x:2x2x1
jax: 0.10.2.dev20260603
libtpu: 0.0.44.dev20260713+nightly
codegen_flags: <defaults>
</compile_context>

<pallas_src>
import functools

import jax
import jax.numpy as jnp
from jax import lax
from jax.experimental import pallas as pl
from jax.experimental.pallas import tpu as pltpu
from jax.experimental.pallas import tpu_sc as plsc

_B = 16384
_NC = 2
_NS = 16
_NW = _NC * _NS
_BPW = _B // _NW

_FN = 32
_MF = 8

_sc_mesh = plsc.VectorSubcoreMesh(core_axis_name="c", subcore_axis_name="s")


@functools.partial(
    pl.kernel,
    out_type=(
        jax.ShapeDtypeStruct((_B, _FN), jnp.float32),
        jax.ShapeDtypeStruct((_B, _FN), jnp.float32),
        jax.ShapeDtypeStruct((_B, _MF), jnp.float32),
        jax.ShapeDtypeStruct((_B, _MF), jnp.float32),
    ),
    mesh=_sc_mesh,
    scratch_types=(
        pltpu.VMEM((_BPW,), jnp.int32),
        pltpu.VMEM((_BPW,), jnp.int32),
        pltpu.VMEM((_BPW, _FN), jnp.float32),
        pltpu.VMEM((_BPW, _FN), jnp.float32),
        pltpu.VMEM((_BPW, _MF), jnp.float32),
        pltpu.VMEM((_BPW, _MF), jnp.float32),
        pltpu.SemaphoreType.DMA,
        pltpu.SemaphoreType.DMA,
    ),
    compiler_params=pltpu.CompilerParams(use_tc_tiling_on_sc=False),
)
def _sc_gather(user_hbm, item_hbm, fnu_tab, fni_tab, mfu_tab, mfi_tab,
               fnu_out, fni_out, mfu_out, mfi_out,
               uidx, iidx, fnu_v, fni_v, mfu_v, mfi_v, gsem, osem):
    wid = lax.axis_index("s") * _NC + lax.axis_index("c")
    base = wid * _BPW
    pltpu.sync_copy(user_hbm.at[pl.ds(base, _BPW)], uidx)
    pltpu.sync_copy(item_hbm.at[pl.ds(base, _BPW)], iidx)
    c1 = pltpu.async_copy(fnu_tab.at[uidx], fnu_v, gsem)
    c2 = pltpu.async_copy(fni_tab.at[iidx], fni_v, gsem)
    c3 = pltpu.async_copy(mfu_tab.at[uidx], mfu_v, gsem)
    c4 = pltpu.async_copy(mfi_tab.at[iidx], mfi_v, gsem)
    c1.wait()
    o1 = pltpu.async_copy(fnu_v, fnu_out.at[pl.ds(base, _BPW)], osem)
    c2.wait()
    o2 = pltpu.async_copy(fni_v, fni_out.at[pl.ds(base, _BPW)], osem)
    c3.wait()
    o3 = pltpu.async_copy(mfu_v, mfu_out.at[pl.ds(base, _BPW)], osem)
    c4.wait()
    o4 = pltpu.async_copy(mfi_v, mfi_out.at[pl.ds(base, _BPW)], osem)
    o1.wait()
    o2.wait()
    o3.wait()
    o4.wait()


def _mlp_body(fnu_ref, fni_ref, mfu_ref, mfi_ref, w1u_ref, w1i_ref, b1_ref,
              w2_ref, b2_ref, w3_ref, b3_ref, womf_ref, woh_ref, bo_ref,
              out_ref):
    f32 = jnp.float32
    h = jnp.dot(fnu_ref[...], w1u_ref[...], preferred_element_type=f32)
    h += jnp.dot(fni_ref[...], w1i_ref[...], preferred_element_type=f32)
    h = jnp.maximum(h + b1_ref[...], 0.0)
    h = jnp.maximum(
        jnp.dot(h, w2_ref[...], preferred_element_type=f32) + b2_ref[...], 0.0)
    h = jnp.maximum(
        jnp.dot(h, w3_ref[...], preferred_element_type=f32) + b3_ref[...], 0.0)
    r = jnp.dot(mfu_ref[...] * mfi_ref[...], womf_ref[...],
                preferred_element_type=f32)
    r += jnp.dot(h, woh_ref[...], preferred_element_type=f32)
    out_ref[...] = r[:, 0] + bo_ref[0, 0]


def kernel(user, item, mf_emb_user, mf_emb_item, fn_emb_user, fn_emb_item,
           W1, b1, W2, b2, W3, b3, Wo, bo):
    fnu, fni, mfu, mfi = _sc_gather(
        user.astype(jnp.int32), item.astype(jnp.int32),
        fn_emb_user, fn_emb_item, mf_emb_user, mf_emb_item)

    blk = 2048
    grid = _B // blk

    def _w(shape):
        return pl.BlockSpec(shape, lambda i: (0, 0))

    out = pl.pallas_call(
        _mlp_body,
        grid=(grid,),
        in_specs=[
            pl.BlockSpec((blk, _FN), lambda i: (i, 0)),
            pl.BlockSpec((blk, _FN), lambda i: (i, 0)),
            pl.BlockSpec((blk, _MF), lambda i: (i, 0)),
            pl.BlockSpec((blk, _MF), lambda i: (i, 0)),
            _w((_FN, 64)), _w((_FN, 64)), _w((1, 64)),
            _w((64, 32)), _w((1, 32)),
            _w((32, 16)), _w((1, 16)),
            _w((_MF, 1)), _w((16, 1)), _w((1, 1)),
        ],
        out_specs=pl.BlockSpec((blk,), lambda i: (i,)),
        out_shape=jax.ShapeDtypeStruct((_B,), jnp.float32),
    )(fnu, fni, mfu, mfi,
      W1[:_FN], W1[_FN:], b1.reshape(1, 64),
      W2, b2.reshape(1, 32),
      W3, b3.reshape(1, 16),
      Wo[:_MF], Wo[_MF:], bo.reshape(1, 1))
    return out

# --- scband reference (transcript-rebuilt; emitter-appended) ---
"""Pipeline reference for scband-mf-bias-42812234007070 (READ-ONLY COPY).

The authoritative reference and input builder live on the scoring server;
editing this copy changes nothing except your own understanding.
"""

import jax, jax.numpy as jnp
import numpy as np

NUM_USER = 100000
NUM_ITEM = 100000
MF_DIM = 8
FN_DIM = 32
BATCH = 16384


def _xavier(key, shape):
    fan_in, fan_out = shape[0], shape[1]
    limit = float(np.sqrt(6.0 / (fan_in + fan_out)))
    return jax.random.uniform(key, shape, jnp.float32, -limit, limit)


def setup_inputs(seed: int = 0) -> dict:
    key = jax.random.key(seed)
    ks = jax.random.split(key, 12)
    user = jax.random.randint(ks[0], (BATCH,), 0, NUM_USER, dtype=jnp.int64 if jax.config.jax_enable_x64 else jnp.int32)
    item = jax.random.randint(ks[1], (BATCH,), 0, NUM_ITEM, dtype=jnp.int64 if jax.config.jax_enable_x64 else jnp.int32)
    mf_emb_user = _xavier(ks[2], (NUM_USER, MF_DIM))
    mf_emb_item = _xavier(ks[3], (NUM_ITEM, MF_DIM))
    fn_emb_user = _xavier(ks[4], (NUM_USER, FN_DIM))
    fn_emb_item = _xavier(ks[5], (NUM_ITEM, FN_DIM))
    W1 = _xavier(ks[6], (2 * FN_DIM, 64))
    b1 = jnp.zeros((64,), jnp.float32)
    W2 = _xavier(ks[7], (2 * FN_DIM, 32))
    b2 = jnp.zeros((32,), jnp.float32)
    W3 = _xavier(ks[8], (32, 16))
    b3 = jnp.zeros((16,), jnp.float32)
    Wo = _xavier(ks[9], (16 + MF_DIM, 1))
    bo = jnp.zeros((1,), jnp.float32)
    return {"user": user, "item": item,
            "mf_emb_user": mf_emb_user, "mf_emb_item": mf_emb_item,
            "fn_emb_user": fn_emb_user, "fn_emb_item": fn_emb_item,
            "W1": W1, "b1": b1, "W2": W2, "b2": b2, "W3": W3, "b3": b3,
            "Wo": Wo, "bo": bo}


def reference(user, item, mf_emb_user, mf_emb_item, fn_emb_user, fn_emb_item,
              W1, b1, W2, b2, W3, b3, Wo, bo):
    mf_u = jnp.take(mf_emb_user, user, axis=0)
    mf_i = jnp.take(mf_emb_item, item, axis=0)
    fn_u = jnp.take(fn_emb_user, user, axis=0)
    fn_i = jnp.take(fn_emb_item, item, axis=0)
    mf_mul = mf_u * mf_i
    fn_concat = jnp.concatenate([fn_u, fn_i], axis=-1)
    # linear_stack (dropout is identity at inference)
    h = jax.nn.relu(fn_concat @ W1 + b1)
    h = jax.nn.relu(h @ W2 + b2)
    h = jax.nn.relu(h @ W3 + b3)
    merged = jnp.concatenate([mf_mul, h], axis=-1)
    ratings = merged @ Wo + bo
    return ratings.sum(1)

if __name__ == "__main__":
    import jax
    _d = setup_inputs()
    print(jax.jit(kernel)(*tuple(_d.values())))

</pallas_src>

<mosaic_0001>
#map = affine_map<(d0, d1) -> (0)>
#map1 = affine_map<(d0, d1) -> (0, 0)>
module attributes {stable_mosaic.version = 14 : i64} {
  func.func @_sc_gather(%arg0: i32, %arg1: i32, %arg2: memref<16384xi32, #tpu.memory_space<hbm>>, %arg3: memref<16384xi32, #tpu.memory_space<hbm>>, %arg4: memref<100000x32xf32, #tpu.memory_space<hbm>>, %arg5: memref<100000x32xf32, #tpu.memory_space<hbm>>, %arg6: memref<100000x8xf32, #tpu.memory_space<hbm>>, %arg7: memref<100000x8xf32, #tpu.memory_space<hbm>>, %arg8: memref<16384x32xf32, #tpu.memory_space<hbm>>, %arg9: memref<16384x32xf32, #tpu.memory_space<hbm>>, %arg10: memref<16384x8xf32, #tpu.memory_space<hbm>>, %arg11: memref<16384x8xf32, #tpu.memory_space<hbm>>, %arg12: memref<512xi32, #tpu.memory_space<vmem>>, %arg13: memref<512xi32, #tpu.memory_space<vmem>>, %arg14: memref<512x32xf32, #tpu.memory_space<vmem>>, %arg15: memref<512x32xf32, #tpu.memory_space<vmem>>, %arg16: memref<512x8xf32, #tpu.memory_space<vmem>>, %arg17: memref<512x8xf32, #tpu.memory_space<vmem>>, %arg18: memref<!tpu.dma_semaphore, #tpu.memory_space<semaphore_mem>>, %arg19: memref<!tpu.dma_semaphore, #tpu.memory_space<semaphore_mem>>) attributes {dimension_semantics = [#tpu.dimension_semantics<core_parallel>, #tpu.dimension_semantics<subcore_parallel>], iteration_bounds = array<i64: 2, 16>, scalar_prefetch = 0 : i64, scratch_operands = 8 : i64, tpu.core_type = #tpu.core_type<sc_vector_subcore>, window_params = [{transform_indices = #map}, {transform_indices = #map}, {transform_indices = #map1}, {transform_indices = #map1}, {transform_indices = #map1}, {transform_indices = #map1}, {transform_indices = #map1}, {transform_indices = #map1}, {transform_indices = #map1}, {transform_indices = #map1}]} {
    %mul3A = arith.constant 2 : i32
    %mul3A_0 = arith.muli %arg1, %mul3A : i32
    %add3A = arith.addi %mul3A_0, %arg0 : i32
    %mul3A_1 = arith.constant 512 : i32
    %mul3A_2 = arith.muli %add3A, %mul3A_1 : i32
    "tpu.region"() ({
      %run_scoped3A = tpu.sem_alloc : memref<!tpu.dma_semaphore, #tpu.memory_space<semaphore_mem>>
      %dma_start3A_57 = tpu.memref_slice %arg2[%mul3A_2] : memref<16384xi32, #tpu.memory_space<hbm>> -> memref<512xi32, #tpu.memory_space<hbm>>
      %dma_start3A_58 = tpu.memref_slice %arg2[%mul3A_2] : memref<16384xi32, #tpu.memory_space<hbm>> -> memref<512xi32, #tpu.memory_space<hbm>>
      tpu.enqueue_dma source(%dma_start3A_58 : memref<512xi32, #tpu.memory_space<hbm>>) target(%arg12 : memref<512xi32, #tpu.memory_space<vmem>>) target_semaphore(%run_scoped3A : memref<!tpu.dma_semaphore, #tpu.memory_space<semaphore_mem>>)
      %dma_wait3A_59 = tpu.memref_slice %arg2[%mul3A_2] : memref<16384xi32, #tpu.memory_space<hbm>> -> memref<512xi32, #tpu.memory_space<hbm>>
      %dma_wait3A_60 = tpu.memref_slice %arg2[%mul3A_2] : memref<16384xi32, #tpu.memory_space<hbm>> -> memref<512xi32, #tpu.memory_space<hbm>>
      tpu.wait_dma2 semaphore(%run_scoped3A : memref<!tpu.dma_semaphore, #tpu.memory_space<semaphore_mem>>) src(%dma_wait3A_60 : memref<512xi32, #tpu.memory_space<hbm>>) dst(%arg12 : memref<512xi32, #tpu.memory_space<vmem>>)
      tpu.yield
    }) : () -> ()
    "tpu.region"() ({
      %run_scoped3A = tpu.sem_alloc : memref<!tpu.dma_semaphore, #tpu.memory_space<semaphore_mem>>
      %dma_start3A_57 = tpu.memref_slice %arg3[%mul3A_2] : memref<16384xi32, #tpu.memory_space<hbm>> -> memref<512xi32, #tpu.memory_space<hbm>>
      %dma_start3A_58 = tpu.memref_slice %arg3[%mul3A_2] : memref<16384xi32, #tpu.memory_space<hbm>> -> memref<512xi32, #tpu.memory_space<hbm>>
      tpu.enqueue_dma source(%dma_start3A_58 : memref<512xi32, #tpu.memory_space<hbm>>) target(%arg13 : memref<512xi32, #tpu.memory_space<vmem>>) target_semaphore(%run_scoped3A : memref<!tpu.dma_semaphore, #tpu.memory_space<semaphore_mem>>)
      %dma_wait3A_59 = tpu.memref_slice %arg3[%mul3A_2] : memref<16384xi32, #tpu.memory_space<hbm>> -> memref<512xi32, #tpu.memory_space<hbm>>
      %dma_wait3A_60 = tpu.memref_slice %arg3[%mul3A_2] : memref<16384xi32, #tpu.memory_space<hbm>> -> memref<512xi32, #tpu.memory_space<hbm>>
      tpu.wait_dma2 semaphore(%run_scoped3A : memref<!tpu.dma_semaphore, #tpu.memory_space<semaphore_mem>>) src(%dma_wait3A_60 : memref<512xi32, #tpu.memory_space<hbm>>) dst(%arg13 : memref<512xi32, #tpu.memory_space<vmem>>)
      tpu.yield
    }) : () -> ()
    %dma_start3A = arith.constant 0 : i32
    %dma_start3A_3 = arith.constant 0 : i32
    %dma_start3A_4 = tpu.memref_slice %arg4[%dma_start3A, %dma_start3A_3] : memref<100000x32xf32, #tpu.memory_space<hbm>> -> memref<100000x32xf32, #tpu.memory_space<hbm>>
    tpu.enqueue_indirect_dma source(%dma_start3A_4 : memref<100000x32xf32, #tpu.memory_space<hbm>>) target(%arg14 : memref<512x32xf32, #tpu.memory_space<vmem>>) offsets(%arg12 : memref<512xi32, #tpu.memory_space<vmem>>) semaphore(%arg18 : memref<!tpu.dma_semaphore, #tpu.memory_space<semaphore_mem>>)
    %dma_start3A_5 = arith.constant 0 : i32
    %dma_start3A_6 = arith.constant 0 : i32
    %dma_start3A_7 = tpu.memref_slice %arg5[%dma_start3A_5, %dma_start3A_6] : memref<100000x32xf32, #tpu.memory_space<hbm>> -> memref<100000x32xf32, #tpu.memory_space<hbm>>
    tpu.enqueue_indirect_dma source(%dma_start3A_7 : memref<100000x32xf32, #tpu.memory_space<hbm>>) target(%arg15 : memref<512x32xf32, #tpu.memory_space<vmem>>) offsets(%arg13 : memref<512xi32, #tpu.memory_space<vmem>>) semaphore(%arg18 : memref<!tpu.dma_semaphore, #tpu.memory_space<semaphore_mem>>)
    %dma_start3A_8 = arith.constant 0 : i32
    %dma_start3A_9 = arith.constant 0 : i32
    %dma_start3A_10 = tpu.memref_slice %arg6[%dma_start3A_8, %dma_start3A_9] : memref<100000x8xf32, #tpu.memory_space<hbm>> -> memref<100000x8xf32, #tpu.memory_space<hbm>>
    tpu.enqueue_indirect_dma source(%dma_start3A_10 : memref<100000x8xf32, #tpu.memory_space<hbm>>) target(%arg16 : memref<512x8xf32, #tpu.memory_space<vmem>>) offsets(%arg12 : memref<512xi32, #tpu.memory_space<vmem>>) semaphore(%arg18 : memref<!tpu.dma_semaphore, #tpu.memory_space<semaphore_mem>>)
    %dma_start3A_11 = arith.constant 0 : i32
    %dma_start3A_12 = arith.constant 0 : i32
    %dma_start3A_13 = tpu.memref_slice %arg7[%dma_start3A_11, %dma_start3A_12] : memref<100000x8xf32, #tpu.memory_space<hbm>> -> memref<100000x8xf32, #tpu.memory_space<hbm>>
    tpu.enqueue_indirect_dma source(%dma_start3A_13 : memref<100000x8xf32, #tpu.memory_space<hbm>>) target(%arg17 : memref<512x8xf32, #tpu.memory_space<vmem>>) offsets(%arg13 : memref<512xi32, #tpu.memory_space<vmem>>) semaphore(%arg18 : memref<!tpu.dma_semaphore, #tpu.memory_space<semaphore_mem>>)
    %dma_wait3A = arith.constant 0 : i32
    %dma_wait3A_14 = arith.constant 0 : i32
    %dma_wait3A_15 = tpu.memref_slice %arg4[%dma_wait3A, %dma_wait3A_14] : memref<100000x32xf32, #tpu.memory_space<hbm>> -> memref<100000x32xf32, #tpu.memory_space<hbm>>
    tpu.wait_indirect_dma semaphore(%arg18 : memref<!tpu.dma_semaphore, #tpu.memory_space<semaphore_mem>>) src(%dma_wait3A_15 : memref<100000x32xf32, #tpu.memory_space<hbm>>) dst(%arg14 : memref<512x32xf32, #tpu.memory_space<vmem>>)
    %dma_start3A_16 = arith.constant 0 : i32
    %dma_start3A_17 = tpu.memref_slice %arg8[%mul3A_2, %dma_start3A_16] : memref<16384x32xf32, #tpu.memory_space<hbm>> -> memref<512x32xf32, #tpu.memory_space<hbm>>
    %dma_start3A_18 = arith.constant 0 : i32
    %dma_start3A_19 = tpu.memref_slice %arg8[%mul3A_2, %dma_start3A_18] : memref<16384x32xf32, #tpu.memory_space<hbm>> -> memref<512x32xf32, #tpu.memory_space<hbm>>
    tpu.enqueue_dma source(%arg14 : memref<512x32xf32, #tpu.memory_space<vmem>>) target(%dma_start3A_19 : memref<512x32xf32, #tpu.memory_space<hbm>>) target_semaphore(%arg19 : memref<!tpu.dma_semaphore, #tpu.memory_space<semaphore_mem>>)
    %dma_wait3A_20 = arith.constant 0 : i32
    %dma_wait3A_21 = arith.constant 0 : i32
    %dma_wait3A_22 = tpu.memref_slice %arg5[%dma_wait3A_20, %dma_wait3A_21] : memref<100000x32xf32, #tpu.memory_space<hbm>> -> memref<100000x32xf32, #tpu.memory_space<hbm>>
    tpu.wait_indirect_dma semaphore(%arg18 : memref<!tpu.dma_semaphore, #tpu.memory_space<semaphore_mem>>) src(%dma_wait3A_22 : memref<100000x32xf32, #tpu.memory_space<hbm>>) dst(%arg15 : memref<512x32xf32, #tpu.memory_space<vmem>>)
    %dma_start3A_23 = arith.constant 0 : i32
    %dma_start3A_24 = tpu.memref_slice %arg9[%mul3A_2, %dma_start3A_23] : memref<16384x32xf32, #tpu.memory_space<hbm>> -> memref<512x32xf32, #tpu.memory_space<hbm>>
    %dma_start3A_25 = arith.constant 0 : i32
    %dma_start3A_26 = tpu.memref_slice %arg9[%mul3A_2, %dma_start3A_25] : memref<16384x32xf32, #tpu.memory_space<hbm>> -> memref<512x32xf32, #tpu.memory_space<hbm>>
    tpu.enqueue_dma source(%arg15 : memref<512x32xf32, #tpu.memory_space<vmem>>) target(%dma_start3A_26 : memref<512x32xf32, #tpu.memory_space<hbm>>) target_semaphore(%arg19 : memref<!tpu.dma_semaphore, #tpu.memory_space<semaphore_mem>>)
    %dma_wait3A_27 = arith.constant 0 : i32
    %dma_wait3A_28 = arith.constant 0 : i32
    %dma_wait3A_29 = tpu.memref_slice %arg6[%dma_wait3A_27, %dma_wait3A_28] : memref<100000x8xf32, #tpu.memory_space<hbm>> -> memref<100000x8xf32, #tpu.memory_space<hbm>>
    tpu.wait_indirect_dma semaphore(%arg18 : memref<!tpu.dma_semaphore, #tpu.memory_space<semaphore_mem>>) src(%dma_wait3A_29 : memref<100000x8xf32, #tpu.memory_space<hbm>>) dst(%arg16 : memref<512x8xf32, #tpu.memory_space<vmem>>)
    %dma_start3A_30 = arith.constant 0 : i32
    %dma_start3A_31 = tpu.memref_slice %arg10[%mul3A_2, %dma_start3A_30] : memref<16384x8xf32, #tpu.memory_space<hbm>> -> memref<512x8xf32, #tpu.memory_space<hbm>>
    %dma_start3A_32 = arith.constant 0 : i32
    %dma_start3A_33 = tpu.memref_slice %arg10[%mul3A_2, %dma_start3A_32] : memref<16384x8xf32, #tpu.memory_space<hbm>> -> memref<512x8xf32, #tpu.memory_space<hbm>>
    tpu.enqueue_dma source(%arg16 : memref<512x8xf32, #tpu.memory_space<vmem>>) target(%dma_start3A_33 : memref<512x8xf32, #tpu.memory_space<hbm>>) target_semaphore(%arg19 : memref<!tpu.dma_semaphore, #tpu.memory_space<semaphore_mem>>)
    %dma_wait3A_34 = arith.constant 0 : i32
    %dma_wait3A_35 = arith.constant 0 : i32
    %dma_wait3A_36 = tpu.memref_slice %arg7[%dma_wait3A_34, %dma_wait3A_35] : memref<100000x8xf32, #tpu.memory_space<hbm>> -> memref<100000x8xf32, #tpu.memory_space<hbm>>
    tpu.wait_indirect_dma semaphore(%arg18 : memref<!tpu.dma_semaphore, #tpu.memory_space<semaphore_mem>>) src(%dma_wait3A_36 : memref<100000x8xf32, #tpu.memory_space<hbm>>) dst(%arg17 : memref<512x8xf32, #tpu.memory_space<vmem>>)
    %dma_start3A_37 = arith.constant 0 : i32
    %dma_start3A_38 = tpu.memref_slice %arg11[%mul3A_2, %dma_start3A_37] : memref<16384x8xf32, #tpu.memory_space<hbm>> -> memref<512x8xf32, #tpu.memory_space<hbm>>
    %dma_start3A_39 = arith.constant 0 : i32
    %dma_start3A_40 = tpu.memref_slice %arg11[%mul3A_2, %dma_start3A_39] : memref<16384x8xf32, #tpu.memory_space<hbm>> -> memref<512x8xf32, #tpu.memory_space<hbm>>
    tpu.enqueue_dma source(%arg17 : memref<512x8xf32, #tpu.memory_space<vmem>>) target(%dma_start3A_40 : memref<512x8xf32, #tpu.memory_space<hbm>>) target_semaphore(%arg19 : memref<!tpu.dma_semaphore, #tpu.memory_space<semaphore_mem>>)
    %dma_wait3A_41 = arith.constant 0 : i32
    %dma_wait3A_42 = tpu.memref_slice %arg8[%mul3A_2, %dma_wait3A_41] : memref<16384x32xf32, #tpu.memory_space<hbm>> -> memref<512x32xf32, #tpu.memory_space<hbm>>
    %dma_wait3A_43 = arith.constant 0 : i32
    %dma_wait3A_44 = tpu.memref_slice %arg8[%mul3A_2, %dma_wait3A_43] : memref<16384x32xf32, #tpu.memory_space<hbm>> -> memref<512x32xf32, #tpu.memory_space<hbm>>
    tpu.wait_dma2 semaphore(%arg19 : memref<!tpu.dma_semaphore, #tpu.memory_space<semaphore_mem>>) src(%arg14 : memref<512x32xf32, #tpu.memory_space<vmem>>) dst(%dma_wait3A_44 : memref<512x32xf32, #tpu.memory_space<hbm>>)
    %dma_wait3A_45 = arith.constant 0 : i32
    %dma_wait3A_46 = tpu.memref_slice %arg9[%mul3A_2, %dma_wait3A_45] : memref<16384x32xf32, #tpu.memory_space<hbm>> -> memref<512x32xf32, #tpu.memory_space<hbm>>
    %dma_wait3A_47 = arith.constant 0 : i32
    %dma_wait3A_48 = tpu.memref_slice %arg9[%mul3A_2, %dma_wait3A_47] : memref<16384x32xf32, #tpu.memory_space<hbm>> -> memref<512x32xf32, #tpu.memory_space<hbm>>
    tpu.wait_dma2 semaphore(%arg19 : memref<!tpu.dma_semaphore, #tpu.memory_space<semaphore_mem>>) src(%arg15 : memref<512x32xf32, #tpu.memory_space<vmem>>) dst(%dma_wait3A_48 : memref<512x32xf32, #tpu.memory_space<hbm>>)
    %dma_wait3A_49 = arith.constant 0 : i32
    %dma_wait3A_50 = tpu.memref_slice %arg10[%mul3A_2, %dma_wait3A_49] : memref<16384x8xf32, #tpu.memory_space<hbm>> -> memref<512x8xf32, #tpu.memory_space<hbm>>
    %dma_wait3A_51 = arith.constant 0 : i32
    %dma_wait3A_52 = tpu.memref_slice %arg10[%mul3A_2, %dma_wait3A_51] : memref<16384x8xf32, #tpu.memory_space<hbm>> -> memref<512x8xf32, #tpu.memory_space<hbm>>
    tpu.wait_dma2 semaphore(%arg19 : memref<!tpu.dma_semaphore, #tpu.memory_space<semaphore_mem>>) src(%arg16 : memref<512x8xf32, #tpu.memory_space<vmem>>) dst(%dma_wait3A_52 : memref<512x8xf32, #tpu.memory_space<hbm>>)
    %dma_wait3A_53 = arith.constant 0 : i32
    %dma_wait3A_54 = tpu.memref_slice %arg11[%mul3A_2, %dma_wait3A_53] : memref<16384x8xf32, #tpu.memory_space<hbm>> -> memref<512x8xf32, #tpu.memory_space<hbm>>
    %dma_wait3A_55 = arith.constant 0 : i32
    %dma_wait3A_56 = tpu.memref_slice %arg11[%mul3A_2, %dma_wait3A_55] : memref<16384x8xf32, #tpu.memory_space<hbm>> -> memref<512x8xf32, #tpu.memory_space<hbm>>
    tpu.wait_dma2 semaphore(%arg19 : memref<!tpu.dma_semaphore, #tpu.memory_space<semaphore_mem>>) src(%arg17 : memref<512x8xf32, #tpu.memory_space<vmem>>) dst(%dma_wait3A_56 : memref<512x8xf32, #tpu.memory_space<hbm>>)
    return
  }
}

module attributes {stable_mosaic.version = 14 : i64} {
  func.func @_mlp_body(%arg0: i32, %arg1: memref<2048x32xf32, #tpu.memory_space<vmem>>, %arg2: memref<2048x32xf32, #tpu.memory_space<vmem>>, %arg3: memref<2048x8xf32, #tpu.memory_space<vmem>>, %arg4: memref<2048x8xf32, #tpu.memory_space<vmem>>, %arg5: memref<32x64xf32, #tpu.memory_space<vmem>>, %arg6: memref<32x64xf32, #tpu.memory_space<vmem>>, %arg7: memref<1x64xf32, #tpu.memory_space<vmem>>, %arg8: memref<64x32xf32, #tpu.memory_space<vmem>>, %arg9: memref<1x32xf32, #tpu.memory_space<vmem>>, %arg10: memref<32x16xf32, #tpu.memory_space<vmem>>, %arg11: memref<1x16xf32, #tpu.memory_space<vmem>>, %arg12: memref<8x1xf32, #tpu.memory_space<vmem>>, %arg13: memref<16x1xf32, #tpu.memory_space<vmem>>, %arg14: memref<1x1xf32, #tpu.memory_space<vmem>>, %arg15: memref<2048xf32, #tpu.memory_space<vmem>>) attributes {dimension_semantics = [#tpu.dimension_semantics<arbitrary>], iteration_bounds = array<i64: 8>, scalar_prefetch = 0 : i64, scratch_operands = 0 : i64, tpu.core_type = #tpu.core_type<tc>, window_params = [{transform_indices = @transform_0, window_bounds = array<i64: 2048, 32>}, {transform_indices = @transform_1, window_bounds = array<i64: 2048, 32>}, {transform_indices = @transform_2, window_bounds = array<i64: 2048, 8>}, {transform_indices = @transform_3, window_bounds = array<i64: 2048, 8>}, {pipeline_mode = #tpu.pipeline_mode<synchronous>, transform_indices = @transform_4, window_bounds = array<i64: 32, 64>}, {pipeline_mode = #tpu.pipeline_mode<synchronous>, transform_indices = @transform_5, window_bounds = array<i64: 32, 64>}, {pipeline_mode = #tpu.pipeline_mode<synchronous>, transform_indices = @transform_6, window_bounds = array<i64: 1, 64>}, {pipeline_mode = #tpu.pipeline_mode<synchronous>, transform_indices = @transform_7, window_bounds = array<i64: 64, 32>}, {pipeline_mode = #tpu.pipeline_mode<synchronous>, transform_indices = @transform_8, window_bounds = array<i64: 1, 32>}, {pipeline_mode = #tpu.pipeline_mode<synchronous>, transform_indices = @transform_9, window_bounds = array<i64: 32, 16>}, {pipeline_mode = #tpu.pipeline_mode<synchronous>, transform_indices = @transform_10, window_bounds = array<i64: 1, 16>}, {pipeline_mode = #tpu.pipeline_mode<synchronous>, transform_indices = @transform_11, window_bounds = array<i64: 8, 1>}, {pipeline_mode = #tpu.pipeline_mode<synchronous>, transform_indices = @transform_12, window_bounds = array<i64: 16, 1>}, {pipeline_mode = #tpu.pipeline_mode<synchronous>, transform_indices = @transform_13, window_bounds = array<i64: 1, 1>}, {transform_indices = @transform_14, window_bounds = array<i64: 2048>}]} {
    %get3A = arith.constant 0 : index
    %get3A_0 = arith.constant 0 : index
    %get3A_1 = vector.load %arg1[%get3A, %get3A_0] : memref<2048x32xf32, #tpu.memory_space<vmem>>, vector<2048x32xf32>
    %get3A_2 = arith.constant 0 : index
    %get3A_3 = arith.constant 0 : index
    %get3A_4 = vector.load %arg5[%get3A_2, %get3A_3] : memref<32x64xf32, #tpu.memory_space<vmem>>, vector<32x64xf32>
    %dot_general3A = arith.constant dense<0.000000e+00> : vector<2048x64xf32>
    %dot_general3A_5 = tpu.matmul %get3A_1, %get3A_4, %dot_general3A {dimension_numbers = #tpu.dot_dimension_numbers<[1], [0], [0], [1], [0, 0, 1, 1], [], []>, transpose_lhs_hint = false} : vector<2048x32xf32>, vector<32x64xf32>, vector<2048x64xf32> -> vector<2048x64xf32>
    %get3A_6 = arith.constant 0 : index
    %get3A_7 = arith.constant 0 : index
    %get3A_8 = vector.load %arg2[%get3A_6, %get3A_7] : memref<2048x32xf32, #tpu.memory_space<vmem>>, vector<2048x32xf32>
    %get3A_9 = arith.constant 0 : index
    %get3A_10 = arith.constant 0 : index
    %get3A_11 = vector.load %arg6[%get3A_9, %get3A_10] : memref<32x64xf32, #tpu.memory_space<vmem>>, vector<32x64xf32>
    %dot_general3A_12 = arith.constant dense<0.000000e+00> : vector<2048x64xf32>
    %dot_general3A_13 = tpu.matmul %get3A_8, %get3A_11, %dot_general3A_12 {dimension_numbers = #tpu.dot_dimension_numbers<[1], [0], [0], [1], [0, 0, 1, 1], [], []>, transpose_lhs_hint = false} : vector<2048x32xf32>, vector<32x64xf32>, vector<2048x64xf32> -> vector<2048x64xf32>
    %add3A = arith.addf %dot_general3A_5, %dot_general3A_13 : vector<2048x64xf32>
    %get3A_14 = arith.constant 0 : index
    %get3A_15 = arith.constant 0 : index
    %get3A_16 = vector.load %arg7[%get3A_14, %get3A_15] : memref<1x64xf32, #tpu.memory_space<vmem>>, vector<1x64xf32>
    %add3A_17 = vector.broadcast %get3A_16 : vector<1x64xf32> to vector<2048x64xf32>
    %add3A_18 = arith.addf %add3A, %add3A_17 : vector<2048x64xf32>
    %max3A = arith.constant 0.000000e+00 : f32
    %max3A_19 = vector.broadcast %max3A : f32 to vector<2048x64xf32>
    %max3A_20 = arith.maximumf %add3A_18, %max3A_19 : vector<2048x64xf32>
    %get3A_21 = arith.constant 0 : index
    %get3A_22 = arith.constant 0 : index
    %get3A_23 = vector.load %arg8[%get3A_21, %get3A_22] : memref<64x32xf32, #tpu.memory_space<vmem>>, vector<64x32xf32>
    %dot_general3A_24 = arith.constant dense<0.000000e+00> : vector<2048x32xf32>
    %dot_general3A_25 = tpu.matmul %max3A_20, %get3A_23, %dot_general3A_24 {dimension_numbers = #tpu.dot_dimension_numbers<[1], [0], [0], [1], [0, 0, 1, 1], [], []>, transpose_lhs_hint = false} : vector<2048x64xf32>, vector<64x32xf32>, vector<2048x32xf32> -> vector<2048x32xf32>
    %get3A_26 = arith.constant 0 : index
    %get3A_27 = arith.constant 0 : index
    %get3A_28 = vector.load %arg9[%get3A_26, %get3A_27] : memref<1x32xf32, #tpu.memory_space<vmem>>, vector<1x32xf32>
    %add3A_29 = vector.broadcast %get3A_28 : vector<1x32xf32> to vector<2048x32xf32>
    %add3A_30 = arith.addf %dot_general3A_25, %add3A_29 : vector<2048x32xf32>
    %max3A_31 = arith.constant 0.000000e+00 : f32
    %max3A_32 = vector.broadcast %max3A_31 : f32 to vector<2048x32xf32>
    %max3A_33 = arith.maximumf %add3A_30, %max3A_32 : vector<2048x32xf32>
    %get3A_34 = arith.constant 0 : index
    %get3A_35 = arith.constant 0 : index
    %get3A_36 = vector.load %arg10[%get3A_34, %get3A_35] : memref<32x16xf32, #tpu.memory_space<vmem>>, vector<32x16xf32>
    %dot_general3A_37 = arith.constant dense<0.000000e+00> : vector<2048x16xf32>
    %dot_general3A_38 = tpu.matmul %max3A_33, %get3A_36, %dot_general3A_37 {dimension_numbers = #tpu.dot_dimension_numbers<[1], [0], [0], [1], [0, 0, 1, 1], [], []>, transpose_lhs_hint = false} : vector<2048x32xf32>, vector<32x16xf32>, vector<2048x16xf32> -> vector<2048x16xf32>
    %get3A_39 = arith.constant 0 : index
    %get3A_40 = arith.constant 0 : index
    %get3A_41 = vector.load %arg11[%get3A_39, %get3A_40] : memref<1x16xf32, #tpu.memory_space<vmem>>, vector<1x16xf32>
    %add3A_42 = vector.broadcast %get3A_41 : vector<1x16xf32> to vector<2048x16xf32>
    %add3A_43 = arith.addf %dot_general3A_38, %add3A_42 : vector<2048x16xf32>
    %max3A_44 = arith.constant 0.000000e+00 : f32
    %max3A_45 = vector.broadcast %max3A_44 : f32 to vector<2048x16xf32>
    %max3A_46 = arith.maximumf %add3A_43, %max3A_45 : vector<2048x16xf32>
    %get3A_47 = arith.constant 0 : index
    %get3A_48 = arith.constant 0 : index
    %get3A_49 = vector.load %arg3[%get3A_47, %get3A_48] : memref<2048x8xf32, #tpu.memory_space<vmem>>, vector<2048x8xf32>
    %get3A_50 = arith.constant 0 : index
    %get3A_51 = arith.constant 0 : index
    %get3A_52 = vector.load %arg4[%get3A_50, %get3A_51] : memref<2048x8xf32, #tpu.memory_space<vmem>>, vector<2048x8xf32>
    %mul3A = arith.mulf %get3A_49, %get3A_52 : vector<2048x8xf32>
    %get3A_53 = arith.constant 0 : index
    %get3A_54 = arith.constant 0 : index
    %get3A_55 = vector.load %arg12[%get3A_53, %get3A_54] : memref<8x1xf32, #tpu.memory_space<vmem>>, vector<8x1xf32>
    %dot_general3A_56 = arith.constant dense<0.000000e+00> : vector<2048x1xf32>
    %dot_general3A_57 = tpu.matmul %mul3A, %get3A_55, %dot_general3A_56 {dimension_numbers = #tpu.dot_dimension_numbers<[1], [0], [0], [1], [0, 0, 1, 1], [], []>, transpose_lhs_hint = false} : vector<2048x8xf32>, vector<8x1xf32>, vector<2048x1xf32> -> vector<2048x1xf32>
    %get3A_58 = arith.constant 0 : index
    %get3A_59 = arith.constant 0 : index
    %get3A_60 = vector.load %arg13[%get3A_58, %get3A_59] : memref<16x1xf32, #tpu.memory_space<vmem>>, vector<16x1xf32>
    %dot_general3A_61 = arith.constant dense<0.000000e+00> : vector<2048x1xf32>
    %dot_general3A_62 = tpu.matmul %max3A_46, %get3A_60, %dot_general3A_61 {dimension_numbers = #tpu.dot_dimension_numbers<[1], [0], [0], [1], [0, 0, 1, 1], [], []>, transpose_lhs_hint = false} : vector<2048x16xf32>, vector<16x1xf32>, vector<2048x1xf32> -> vector<2048x1xf32>
    %add3A_63 = arith.addf %dot_general3A_57, %dot_general3A_62 : vector<2048x1xf32>
    %squeeze3A = vector.shape_cast %add3A_63 : vector<2048x1xf32> to vector<2048xf32>
    %get3A_64 = arith.constant 0 : index
    %get3A_65 = arith.constant 0 : index
    %get3A_66 = vector.load %arg14[%get3A_64, %get3A_65] : memref<1x1xf32, #tpu.memory_space<vmem>>, vector<1x1xf32>
    %get3A_67 = vector.extract %get3A_66[0, 0] : f32 from vector<1x1xf32>
    %add3A_68 = vector.broadcast %get3A_67 : f32 to vector<2048xf32>
    %add3A_69 = arith.addf %squeeze3A, %add3A_68 : vector<2048xf32>
    %swap3A = arith.constant 0 : index
    %swap3A_70 = vector.load %arg15[%swap3A] : memref<2048xf32, #tpu.memory_space<vmem>>, vector<2048xf32>
    tpu.vector_store %arg15[%swap3A], %add3A_69 {strides = array<i32>} : memref<2048xf32, #tpu.memory_space<vmem>>, vector<2048xf32>,
    return
  }
  func.func @transform_0(%arg0: i32) -> (i32, i32) {
    %c0_i32 = arith.constant 0 : i32
    %c0_i32_0 = arith.constant 0 : i32
    return %arg0, %c0_i32 : i32, i32
  }
  func.func @transform_1(%arg0: i32) -> (i32, i32) {
    %c0_i32 = arith.constant 0 : i32
    %c0_i32_0 = arith.constant 0 : i32
    return %arg0, %c0_i32 : i32, i32
  }
  func.func @transform_2(%arg0: i32) -> (i32, i32) {
    %c0_i32 = arith.constant 0 : i32
    %c0_i32_0 = arith.constant 0 : i32
    return %arg0, %c0_i32 : i32, i32
  }
  func.func @transform_3(%arg0: i32) -> (i32, i32) {
    %c0_i32 = arith.constant 0 : i32
    %c0_i32_0 = arith.constant 0 : i32
    return %arg0, %c0_i32 : i32, i32
  }
  func.func @transform_4(%arg0: i32) -> (i32, i32) {
    %c0_i32 = arith.constant 0 : i32
    %c0_i32_0 = arith.constant 0 : i32
    %c0_i32_1 = arith.constant 0 : i32
    return %c0_i32, %c0_i32_0 : i32, i32
  }
  func.func @transform_5(%arg0: i32) -> (i32, i32) {
    %c0_i32 = arith.constant 0 : i32
    %c0_i32_0 = arith.constant 0 : i32
    %c0_i32_1 = arith.constant 0 : i32
    return %c0_i32, %c0_i32_0 : i32, i32
  }
  func.func @transform_6(%arg0: i32) -> (i32, i32) {
    %c0_i32 = arith.constant 0 : i32
    %c0_i32_0 = arith.constant 0 : i32
    %c0_i32_1 = arith.constant 0 : i32
    return %c0_i32, %c0_i32_0 : i32, i32
  }
  func.func @transform_7(%arg0: i32) -> (i32, i32) {
    %c0_i32 = arith.constant 0 : i32
    %c0_i32_0 = arith.constant 0 : i32
    %c0_i32_1 = arith.constant 0 : i32
    return %c0_i32, %c0_i32_0 : i32, i32
  }
  func.func @transform_8(%arg0: i32) -> (i32, i32) {
    %c0_i32 = arith.constant 0 : i32
    %c0_i32_0 = arith.constant 0 : i32
    %c0_i32_1 = arith.constant 0 : i32
    return %c0_i32, %c0_i32_0 : i32, i32
  }
  func.func @transform_9(%arg0: i32) -> (i32, i32) {
    %c0_i32 = arith.constant 0 : i32
    %c0_i32_0 = arith.constant 0 : i32
    %c0_i32_1 = arith.constant 0 : i32
    return %c0_i32, %c0_i32_0 : i32, i32
  }
  func.func @transform_10(%arg0: i32) -> (i32, i32) {
    %c0_i32 = arith.constant 0 : i32
    %c0_i32_0 = arith.constant 0 : i32
    %c0_i32_1 = arith.constant 0 : i32
    return %c0_i32, %c0_i32_0 : i32, i32
  }
  func.func @transform_11(%arg0: i32) -> (i32, i32) {
    %c0_i32 = arith.constant 0 : i32
    %c0_i32_0 = arith.constant 0 : i32
    %c0_i32_1 = arith.constant 0 : i32
    return %c0_i32, %c0_i32_0 : i32, i32
  }
  func.func @transform_12(%arg0: i32) -> (i32, i32) {
    %c0_i32 = arith.constant 0 : i32
    %c0_i32_0 = arith.constant 0 : i32
    %c0_i32_1 = arith.constant 0 : i32
    return %c0_i32, %c0_i32_0 : i32, i32
  }
  func.func @transform_13(%arg0: i32) -> (i32, i32) {
    %c0_i32 = arith.constant 0 : i32
    %c0_i32_0 = arith.constant 0 : i32
    %c0_i32_1 = arith.constant 0 : i32
    return %c0_i32, %c0_i32_0 : i32, i32
  }
  func.func @transform_14(%arg0: i32) -> i32 {
    %c0_i32 = arith.constant 0 : i32
    return %arg0 : i32
  }
}

</mosaic_0001>

<sc_bundles>
// kernel: kernel.4.cloned.1.call-start
scs
__scs_entry_jumppad:
0x0: {  	(pc) =	sbr.rel $0x88, $3  }
0x1: {  	(tag) =	ssettag $0x0;
	lr =	simm.s32 $0x1  }
0x2: {  	[smem:$0x3F93] =	sst lr;
	_ =	strace $0xD0000000  }
0x3: {  	_ = 	snop  }
0x4: {  	_ = 	snop  }
0x5: {  	_ = 	snop  }
0x6: {  	_ = 	snop  }
0x7: {  	_ = 	snop  }
__scs_overlays_trampoline_lowered:
0x8: {  	[smem:$0x3FA2] =	sst s0  }
0x9: {  	[smem:$0x3FA3] =	sst s1  }
0xa: {  	[smem:$0x3FA4] =	sst s2  }
0xb: {  	[smem:$0x3FA5] =	sst s3  }
0xc: {  	[smem:$0x3FA6] =	sst s4  }
0xd: {  	[smem:$0x3FA7] =	sst s5  }
0xe: {  	[smem:$0x3FA8] =	sst s6  }
0xf: {  	[smem:$0x3FA9] =	sst s7  }
0x10: {  	[smem:$0x3FAA] =	sst s8  }
0x11: {  	[smem:$0x3FAB] =	sst s9;
	s0 =	simm.s32 @!p0 $0x0  }
0x12: {  	s1 =	sld [smem:$0x3F91];
	s0 =	simm.s32 @p0 $0x1  }
0x13: {  	[smem:$0x3FAC] =	sst s0;
	s0 =	simm.s32 @!p1 $0x0  }
0x14: {  	s2 =	sld [smem:$0x3F90];
	s0 =	simm.s32 @p1 $0x1  }
0x15: {  	[smem:$0x3FAD] =	sst s0;
	s0 =	simm.s32 @!p2 $0x0  }
0x16: {  	s3 =	sld [smem:$0x3FDB];
	s0 =	simm.s32 @p2 $0x1  }
0x17: {  	s4 =	simm.s32 $0x1BF5;
	[smem:$0x3FAF] =	sst s0  }
0x18: {  	s0 =	sld [smem:$0x3F92];
	_ =	swait.ge [sflag:s4], $0x0  }
0x19: {  	s7 =	sld [smem:$0x3F93]  }
0x1a: {  	s8 =	sadd.s32 $0xFFFFE003, lr  }
0x1b: {  	s9 =	sadd.s32 $0xFFFFFEF7, lr;
	s5 =	simm.s32 $0xFFFFFFFF;
	p2 =	slt.u32 s8, $0xFFFFF086  }
0x1c: {  	p1 =	slt.u32 s9, $0xF7A;
	s5 =	simm.s32 @!p2 $0x0  }
0x1d: {  	s5 =	simm.s32 @p1 $0x1;
	p0 =	seq.s32 s7, s2  }
0x1e: {  	s7 =	smul.u32 @!p0 $0xF7A, s2;
	p2 =	seq.s32 @!p0 s5, $0x0  }
0x1f: {  	s9 =	smul.u32 $0xF7A, s1;
	s8 =	simm.s32 @!p0 $0x1BF5;
	p2 =	por !p2, p0  }
0x20: {  	[sflag:s8] =	ssyncset.s32 @!p0 $0xFFFFF086;
	s6 =	sadd.s32 @!p0 s3, s7;
	s7 =	simm.s32 @!p0 $0x108  }
0x21: {  	s3 =	sadd.s32 s3, s9;
	s6 =	sadd.s32 @!p0 $0x88, s6;
	s7 =	simm.s32 @p2 $0x1082  }
0x22: {  	[simem:s7], [sflag:s8] =	dma.local @!p0 [hbm:s6], $0xF7A  }
0x23: {  	s9 =	sor.u32 $0xD0000000, s2;
	s6 =	simm.s32 $0x108;
	_ =	swait.ge @!p0 [sflag:s8], $0x0  }
0x24: {  	s3 =	sadd.s32 $0x88, s3;
	s6 =	simm.s32 @!p1 $0x1082;
	[sflag:s4] =	ssyncset.s32 $0xFFFFF086  }
0x25: {  	[simem:s6], [sflag:s4] =	dma.local [hbm:s3], $0xF7A  }
0x26: {  	[smem:$0x3F93] =	sst s1;
	(tag) =	ssettag s2;
	_ =	strace s9  }
0x27: {  	s1 =	sld [smem:$0x3FA3]  }
0x28: {  	s2 =	sld [smem:$0x3FA4]  }
0x29: {  	s4 =	sld [smem:$0x3FA6]  }
0x2a: {  	p0 =	seq.s32 s5, $0x0;
	s5 =	sld [smem:$0x3FA7]  }
0x2b: {  	s6 =	sld [smem:$0x3FA8]  }
0x2c: {  	s7 =	sld [smem:$0x3FA9]  }
0x2d: {  	s3 =	simm.s32 $0x108;
	s8 =	sld [smem:$0x3FAA]  }
0x2e: {  	s3 =	simm.s32 @!p0 $0x1082;
	s9 =	sld [smem:$0x3FAB]  }
0x2f: {  	lr =	sadd.s32 s0, s3;
	s0 =	sld [smem:$0x3FA2]  }
0x30: {  	s3 =	sld [smem:$0x3FA5]  }
0x31: {  	[smem:$0x3FAE] =	sst s10  }
0x32: {  	s10 =	sld [smem:$0x3FAC];
	_ =	sdelay $0x3  }
0x33: {  	p0 =	seq.s32 s10, $0x1;
	s10 =	sld [smem:$0x3FAE];
	_ =	sdelay $0x3  }
0x34: {  	[smem:$0x3FAE] =	sst s10  }
0x35: {  	s10 =	sld [smem:$0x3FAD];
	_ =	sdelay $0x3  }
0x36: {  	p1 =	seq.s32 s10, $0x1;
	s10 =	sld [smem:$0x3FAE];
	_ =	sdelay $0x3  }
0x37: {  	[smem:$0x3FAE] =	sst s10  }
0x38: {  	s10 =	sld [smem:$0x3FAF]  }
0x39: {  	_ = 	snop;
	(pc) =	sbr.ind lr, $3  }
0x3a: {  	_ = 	snop  }
0x3b: {  	_ = 	snop  }
0x3c: {  	p2 =	seq.s32 s10, $0x1;
	s10 =	sld [smem:$0x3FAE]  }
0x3d: {  	_ =	shalt  }
0x3e: {  	_ =	shalt  }
0x3f: {  	_ =	shalt  }
0x40: {  	_ =	shalt  }
0x41: {  	_ =	shalt  }
0x42: {  	_ =	shalt  }
0x43: {  	_ =	shalt  }
0x44: {  	_ =	shalt  }
0x45: {  	_ =	shalt  }
0x46: {  	_ =	shalt  }
0x47: {  	_ =	shalt  }
0x48: {  	_ =	shalt  }
0x49: {  	_ =	shalt  }
0x4a: {  	_ =	shalt  }
0x4b: {  	_ =	shalt  }
0x4c: {  	_ =	shalt  }
0x4d: {  	_ =	shalt  }
0x4e: {  	_ =	shalt  }
0x4f: {  	_ =	shalt  }
0x50: {  	_ =	shalt  }
0x51: {  	_ =	shalt  }
0x52: {  	_ =	shalt  }
0x53: {  	_ =	shalt  }
0x54: {  	_ =	shalt  }
0x55: {  	_ =	shalt  }
0x56: {  	_ =	shalt  }
0x57: {  	_ =	shalt  }
0x58: {  	_ =	shalt  }
0x59: {  	_ =	shalt  }
0x5a: {  	_ =	shalt  }
0x5b: {  	_ =	shalt  }
0x5c: {  	_ =	shalt  }
0x5d: {  	_ =	shalt  }
0x5e: {  	_ =	shalt  }
0x5f: {  	_ =	shalt  }
0x60: {  	_ =	shalt  }
0x61: {  	_ =	shalt  }
0x62: {  	_ =	shalt  }
0x63: {  	_ =	shalt  }
0x64: {  	_ =	shalt  }
0x65: {  	_ =	shalt  }
0x66: {  	_ =	shalt  }
0x67: {  	_ =	shalt  }
0x68: {  	_ =	shalt  }
0x69: {  	_ =	shalt  }
0x6a: {  	_ =	shalt  }
0x6b: {  	_ =	shalt  }
0x6c: {  	_ =	shalt  }
0x6d: {  	_ =	shalt  }
0x6e: {  	_ =	shalt  }
0x6f: {  	_ =	shalt  }
0x70: {  	_ =	shalt  }
0x71: {  	_ =	shalt  }
0x72: {  	_ =	shalt  }
0x73: {  	_ =	shalt  }
0x74: {  	_ =	shalt  }
0x75: {  	_ =	shalt  }
0x76: {  	_ =	shalt  }
0x77: {  	_ =	shalt  }
0x78: {  	_ =	shalt  }
0x79: {  	_ =	shalt  }
0x7a: {  	_ =	shalt  }
0x7b: {  	_ =	shalt  }
0x7c: {  	_ =	shalt  }
0x7d: {  	_ =	shalt  }
0x7e: {  	_ =	shalt  }
0x7f: {  	_ =	shalt  }
0x80: {  	_ =	shalt  }
0x81: {  	_ =	shalt  }
0x82: {  	_ =	shalt  }
0x83: {  	_ =	shalt  }
0x84: {  	_ =	shalt  }
0x85: {  	_ =	shalt  }
0x86: {  	_ =	shalt  }
0x87: {  	_ =	shalt  }
.Lfunc_end0:
.L_simem_size_0:
called_computation_lowered:
.L_overlay_start_0:
0x88: {  	s2 =	sld [smem:$0x3FD9]  }
0x89: {  	s3 =	sld [smem:$0x3FFE];
	_ =	sdelay $0x1  }
0x8a: {  	s1 =	srdreg.scid  }
0x8b: {  	s0 =	sand.u32 $0x1, s1  }
0x8c: {  	s17 =	sshll.u32 s0, $0xA;
	s2 =	sadd.s32 s3, s2  }
0x8d: {  	s2 =	sadd.s32 s2, s17  }
0x8e: {  	[smem:$0x3FBA] =	sst s2  }
0x8f: {  	_ = 	snop  }
0x90: {  	s2 =	sld [smem:$0x3FC9]  }
0x91: {  	s18 =	sld [smem:$0x3FC8];
	(tm) =	ssettm $0x1  }
0x92: {  	s4 =	sld [smem:$0x3FFB];
	_ =	sdelay $0x3  }
0x93: {  	_ =	strace s4  }
0x94: {  	s4 =	sld [smem:$0x3FFC];
	_ =	sdelay $0x3  }
0x95: {  	_ =	strace s4  }
0x96: {  	s4 =	sld [smem:$0x3FFD];
	_ =	sdelay $0x3  }
0x97: {  	_ =	strace s4  }
0x98: {  	_ =	strace $0x8FFFFFFF  }
0x99: {  	s19 =	sld [smem:$0x3FDB];
	_ =	sdelay $0x1  }
0x9a: {  	s5 =	simm.s32 $_scs_section_size  }
0x9b: {  	s6 =	simm.s32 $_size__tile_overlayer_lowered;
	s7 =	simm.s32 $_tile_overlayer_lowered  }
0x9c: {  	s22 =	simm.s32 $0x1BFF;
	s21 =	sshll.u32 s7, $0x1;
	s4 =	sadd.s32 s5, s19  }
0x9d: {  	s8 =	simm.s32 $0x0;
	s20 =	sshll.u32 s6, $0x1;
	s6 =	sadd.s32 s21, s4  }
0x9e: {  	[timem:s8], [sflag:s22] =	dma.local [hbm:s6], s20  }
0x9f: {  	_ =	swait.ge [sflag:s22], s20  }
0xa0: {  	s5 =	ssub.s32 $0x0, s20;
	[sflag:s22] =	ssyncset.done $0x0  }
0xa1: {  	[sflag:s22] =	ssyncadd.s32 s5;
	_ =	sdelay $0x1  }
0xa2: {  	s23 =	simm.s32 $0x1B8B  }
0xa3: {  	_ =	swait.ge [sflag:s23], $0x1  }
0xa4: {  	[sflag:s23] =	ssyncset.done $0x0  }
0xa5: {  	s25 =	simm.s32 $0x1B8E;
	s24 =	sld [smem:$0x3FFE];
	[sflag:s23] =	ssyncadd.s32 $0xFFFFFFFF  }
0xa6: {  	s26 =	simm.s32 $execute0_lowered;
	[smem:$0x3FD2] =	sst s25  }
0xa7: {  	s6 =	sshll.u32 s26, $0x1;
	_ =	strace $0x80000046;
	[dreg:$0x1] =	wrdreg $0xFFFFFFFF  }
0xa8: {  	s28 =	simm.s32 $_size_execute0_lowered;
	s4 =	sadd.s32 s4, s6;
	[dreg:$0x0] =	wrdreg $0x0  }
0xa9: {  	s6 =	sshll.u32 s28, $0x1;
	[dreg:$0x2] =	wrdreg s4  }
0xaa: {  	[dreg:$0x3] =	wrdreg s6  }
0xab: {  	[dreg:$0x4] =	wrdreg $0xC0  }
0xac: {  	_ =	task [dreg:s8], $0x5FFFF  }
0xad: {  	[dreg:$0x1] =	wrdreg $0xFFFFFFFF  }
0xae: {  	[dreg:$0x0] =	wrdreg $0x60  }
0xaf: {  	[dreg:$0x2] =	wrdreg s2  }
0xb0: {  	[dreg:$0x3] =	wrdreg s18  }
0xb1: {  	[dreg:$0x4] =	wrdreg s24  }
0xb2: {  	[dreg:$0x5] =	wrdreg $0x9  }
0xb3: {  	_ =	task.clear_ibuf [dreg:s8], $0x6FFFF;
	_ =	strace $0x90000046  }
0xb4: {  	s29 =	simm.s32 $0x9;
	_ =	strace $0x80000048  }
0xb5: {  	_ =	swait.ge [sflag:s29], $0x1  }
0xb6: {  	[sflag:s29] =	ssyncadd.s32 $0xFFFFFFFF  }
0xb7: {  	_ =	strace $0x90000048  }
0xb8: {  	_ =	sfence  }
0xb9: {  	s30 =	sld [smem:$0x0];
	_ =	sdelay $0x2  }
0xba: {  	s31 =	sshll.u32 s1, $0xD;
	s1 =	sshrl.u32 s1, $0x2  }
0xbb: {  	s3 =	sand.u32 $0x4000, s31;
	s1 =	sadd.s32 s1, s30  }
0xbc: {  	s0 =	sor.u32 s3, s0;
	s1 =	sshll.u32 s1, $0x11  }
0xbd: {  	s0 =	sor.u32 s1, s0  }
0xbe: {  	s0 =	sadd.s32 $0x8F2B, s0  }
0xbf: {  	[sflag:s0] =	ssyncadd.remote.s32 $0x1  }
0xc0: {  	_ =	sfence.sel $0xFFFF  }
0xc1: {  	[dreg:$0x0] =	wrdreg $0xFFFFFFFF;
	(pc) =	sbr.abs _section_cstart, $3  }
0xc2: {  	[dreg:$0x1] =	wrdreg $0xFFFFFFFF  }
0xc3: {  	_ =	task.clear_ibuf [dreg:s8], $0x2FFFF;
	_ =	strace $0x9FFFFFFF  }
0xc4: {  	(tm) =	ssettm $0x7FFFFFFF  }
0xc5: {  	_ =	shalt  }
tec
execute0_lowered:
.L_overlay_start_1:
0x0: {  	(tag) =	ssettag $0x1  }
0x1: {  	s3 =	rddreg [dreg:$0x0];
	s1 =	srdreg.scid  }
0x2: {  	s5 =	rddreg [dreg:$0x1];
	s0 =	stileid.u32;
	s21 =	sand.u32 $0x1, s1  }
0x3: {  	s18 =	rddreg [dreg:$0x2];
	s4 =	sshll.u32 s0, $0xA;
	s6 =	sshll.u32 s21, $0x9  }
0x4: {  	s2 =	simm.s32 $0x0;
	s1 =	rddreg [dreg:$0x3];
	s19 =	sor.u32 s6, s4  }
0x5: {  	[smem:$0x7FF] =	sst s2;
	s6 =	sshrl.u32 s19, $0x3  }
0x6: {  	_ =	strace $0x80000047;
	s4 =	simm.s32 $0x3;
	s3 =	sadd.s32 s3, s6  }
0x7: {  	[tilespmem:s2], [sflag:$0x3] =	stream.linear.gather [hbm4b:s3+s2], $0x200, $0x38;
	[tilespmem:$0xA400] =	vst v63  }
0x8: {  	_ =	swait.ge [sflag:s4], $0x200  }
0x9: {  	[sflag:s4] =	ssyncset.done $0x0  }
0xa: {  	s5 =	sadd.s32 s5, s6;
	s6 =	simm.s32 $0x200;
	[sflag:s4] =	ssyncadd.s32 $0xFFFFFE00  }
0xb: {  	[tilespmem:s6], [sflag:$0x3] =	stream.linear.gather [hbm4b:s5+s2], $0x200, $0x38;
	[tilespmem:$0xA400] =	vst v63  }
0xc: {  	_ =	swait.ge [sflag:s4], $0x200  }
0xd: {  	[sflag:s4] =	ssyncset.done $0x0  }
0xe: {  	s8 =	simm.s32 $0x400;
	s7 =	sadd.s32 $0x1EB800, s18;
	[sflag:s4] =	ssyncadd.s32 $0xFFFFFE00  }
0xf: {  	[tilespmem:s8], [sflag:$0x1] =	stream.indirect.gather [hbm4b:s7+s6], $0x20, s2, s6, $0xb8;
	[tilespmem:$0xA400] =	vst v63  }
0x10: {  	s10 =	simm.s32 $0x4400;
	s9 =	sadd.s32 $0x189C00, s18  }
0x11: {  	[tilespmem:s10], [sflag:$0x1] =	stream.indirect.gather [hbm4b:s9+s6], $0x20, s6, s6, $0xb8;
	[tilespmem:$0xA400] =	vst v63  }
0x12: {  	s12 =	simm.s32 $0x8400;
	s11 =	sadd.s32 $0x265C00, s18  }
0x13: {  	[tilespmem:s12], [sflag:$0x1] =	stream.indirect.gather [hbm4b:s11+s6], $0x8, s2, s6, $0xb8;
	[tilespmem:$0xA400] =	vst v63  }
0x14: {  	s14 =	simm.s32 $0x9400;
	s15 =	simm.s32 $0x1;
	s13 =	sadd.s32 $0x24D400, s18  }
0x15: {  	[tilespmem:s14], [sflag:$0x1] =	stream.indirect.gather [hbm4b:s13+s6], $0x8, s6, s6, $0xb8;
	[tilespmem:$0xA400] =	vst v63  }
0x16: {  	s16 =	sshll.u32 s19, $0x2;
	_ =	swait.ge [sflag:s15], $0x4000  }
0x17: {  	s17 =	sadd.s32 s16, s18;
	[sflag:s15] =	ssyncset.done $0x0  }
0x18: {  	s16 =	sadd.s32 $0x1B200, s17;
	[sflag:s15] =	ssyncadd.s32 $0xFFFFC000  }
0x19: {  	[hbm4b:s16+s2] =	stream.linear.scatter [tilespmem:s8], [sflag:$0x2], $0x4000, $0x38;
	[tilespmem:$0xA400] =	vst v63  }
0x1a: {  	_ =	swait.ge [sflag:s15], $0x4000  }
0x1b: {  	[sflag:s15] =	ssyncset.done $0x0  }
0x1c: {  	s17 =	sadd.s32 $0xB200, s17;
	[sflag:s15] =	ssyncadd.s32 $0xFFFFC000  }
0x1d: {  	[hbm4b:s17+s2] =	stream.linear.scatter [tilespmem:s10], [sflag:$0x2], $0x4000, $0x38;
	[tilespmem:$0xA400] =	vst v63  }
0x1e: {  	_ =	swait.ge [sflag:s15], $0x1000  }
0x1f: {  	s19 =	sadd.s32 s19, s18;
	[sflag:s15] =	ssyncset.done $0x0  }
0x20: {  	s18 =	sadd.s32 $0x7200, s19;
	[sflag:s15] =	ssyncadd.s32 $0xFFFFF000  }
0x21: {  	[hbm4b:s18+s2] =	stream.linear.scatter [tilespmem:s12], [sflag:$0x2], $0x1000, $0x38;
	[tilespmem:$0xA400] =	vst v63  }
0x22: {  	_ =	swait.ge [sflag:s15], $0x1000  }
0x23: {  	[sflag:s15] =	ssyncset.done $0x0  }
0x24: {  	s20 =	sadd.s32 $0x3200, s19;
	s19 =	simm.s32 $0x2;
	[sflag:s15] =	ssyncadd.s32 $0xFFFFF000  }
0x25: {  	[hbm4b:s20+s2] =	stream.linear.scatter [tilespmem:s14], [sflag:$0x2], $0x1000, $0x38;
	[tilespmem:$0xA400] =	vst v63  }
0x26: {  	_ =	swait.ge [sflag:s19], $0x4000  }
0x27: {  	s21 =	ssub.s32 $0x2, s21;
	[sflag:s19] =	ssyncset.done $0x0  }
0x28: {  	s22 =	sshrl.u32 s21, $0x1;
	[sflag:s19] =	ssyncadd.s32 $0xFFFFC000  }
0x29: {  	s21 =	ssub.s32 s21, s22;
	_ =	swait.ge [sflag:s19], $0x4000  }
0x2a: {  	s21 =	smax.u32 s21, $0x1;
	[sflag:s19] =	ssyncset.done $0x0  }
0x2b: {  	p0 =	sne.s32 s21, $0x1;
	[sflag:s19] =	ssyncadd.s32 $0xFFFFC000  }
.Ltmp0:
0x2c: {  	_ =	swait.ge [sflag:s19], $0x1000;
	(pc) =	sbr.rel @!p0 .LBB2_2-.Ltmp0, $4  }
0x2d: {  	[sflag:s19] =	ssyncset.done $0x0  }
0x2e: {  	[sflag:s19] =	ssyncadd.s32 $0xFFFFF000  }
0x2f: {  	_ =	swait.ge [sflag:s19], $0x1000  }
0x30: {  	s21 =	sadd.s32 $0xFFFFFFFF, s21;
	[sflag:s19] =	ssyncset.done $0x0  }
.LBB2_1:
0x31: {  	p0 =	sne.s32 s21, $0x1;
	s21 =	sadd.s32 $0xFFFFFFFF, s21;
	[sflag:s19] =	ssyncadd.s32 $0xFFFFF000  }
0x32: {  	[tilespmem:s2], [sflag:$0x3] =	stream.linear.gather [hbm4b:s3+s2], $0x200, $0x38;
	[tilespmem:$0xA400] =	vst v63  }
0x33: {  	_ =	swait.ge [sflag:s4], $0x200  }
0x34: {  	[sflag:s4] =	ssyncset.done $0x0  }
0x35: {  	[sflag:s4] =	ssyncadd.s32 $0xFFFFFE00  }
0x36: {  	[tilespmem:s6], [sflag:$0x3] =	stream.linear.gather [hbm4b:s5+s2], $0x200, $0x38;
	[tilespmem:$0xA400] =	vst v63  }
0x37: {  	_ =	swait.ge [sflag:s4], $0x200  }
0x38: {  	[sflag:s4] =	ssyncset.done $0x0  }
0x39: {  	[sflag:s4] =	ssyncadd.s32 $0xFFFFFE00  }
0x3a: {  	[tilespmem:s8], [sflag:$0x1] =	stream.indirect.gather [hbm4b:s7+s6], $0x20, s2, s6, $0xb8;
	[tilespmem:$0xA400] =	vst v63  }
0x3b: {  	_ = 	snop  }
0x3c: {  	[tilespmem:s10], [sflag:$0x1] =	stream.indirect.gather [hbm4b:s9+s6], $0x20, s6, s6, $0xb8;
	[tilespmem:$0xA400] =	vst v63  }
0x3d: {  	_ = 	snop  }
0x3e: {  	[tilespmem:s12], [sflag:$0x1] =	stream.indirect.gather [hbm4b:s11+s6], $0x8, s2, s6, $0xb8;
	[tilespmem:$0xA400] =	vst v63  }
0x3f: {  	_ = 	snop  }
0x40: {  	[tilespmem:s14], [sflag:$0x1] =	stream.indirect.gather [hbm4b:s13+s6], $0x8, s6, s6, $0xb8;
	[tilespmem:$0xA400] =	vst v63  }
0x41: {  	_ =	swait.ge [sflag:s15], $0x4000  }
0x42: {  	[sflag:s15] =	ssyncset.done $0x0  }
0x43: {  	[sflag:s15] =	ssyncadd.s32 $0xFFFFC000  }
0x44: {  	[hbm4b:s16+s2] =	stream.linear.scatter [tilespmem:s8], [sflag:$0x2], $0x4000, $0x38;
	[tilespmem:$0xA400] =	vst v63  }
0x45: {  	_ =	swait.ge [sflag:s15], $0x4000  }
0x46: {  	[sflag:s15] =	ssyncset.done $0x0  }
0x47: {  	[sflag:s15] =	ssyncadd.s32 $0xFFFFC000  }
0x48: {  	[hbm4b:s17+s2] =	stream.linear.scatter [tilespmem:s10], [sflag:$0x2], $0x4000, $0x38;
	[tilespmem:$0xA400] =	vst v63  }
0x49: {  	_ =	swait.ge [sflag:s15], $0x1000  }
0x4a: {  	[sflag:s15] =	ssyncset.done $0x0  }
0x4b: {  	[sflag:s15] =	ssyncadd.s32 $0xFFFFF000  }
0x4c: {  	[hbm4b:s18+s2] =	stream.linear.scatter [tilespmem:s12], [sflag:$0x2], $0x1000, $0x38;
	[tilespmem:$0xA400] =	vst v63  }
0x4d: {  	_ =	swait.ge [sflag:s15], $0x1000  }
0x4e: {  	[sflag:s15] =	ssyncset.done $0x0  }
0x4f: {  	[sflag:s15] =	ssyncadd.s32 $0xFFFFF000  }
0x50: {  	[hbm4b:s20+s2] =	stream.linear.scatter [tilespmem:s14], [sflag:$0x2], $0x1000, $0x38;
	[tilespmem:$0xA400] =	vst v63  }
0x51: {  	_ =	swait.ge [sflag:s19], $0x4000  }
0x52: {  	[sflag:s19] =	ssyncset.done $0x0  }
0x53: {  	[sflag:s19] =	ssyncadd.s32 $0xFFFFC000  }
0x54: {  	_ =	swait.ge [sflag:s19], $0x4000  }
0x55: {  	[sflag:s19] =	ssyncset.done $0x0  }
0x56: {  	[sflag:s19] =	ssyncadd.s32 $0xFFFFC000  }
.Ltmp1:
0x57: {  	_ =	swait.ge [sflag:s19], $0x1000;
	(pc) =	sbr.rel @p0 .LBB2_1-.Ltmp1, $4  }
0x58: {  	[sflag:s19] =	ssyncset.done $0x0  }
0x59: {  	[sflag:s19] =	ssyncadd.s32 $0xFFFFF000  }
0x5a: {  	_ =	swait.ge [sflag:s19], $0x1000  }
0x5b: {  	[sflag:s19] =	ssyncset.done $0x0  }
.LBB2_2:
0x5c: {  	[sflag:s19] =	ssyncadd.s32 $0xFFFFF000  }
0x5d: {  	_ =	sfence.sel $0x180000  }
0x5e: {  	[bflag:$0x0] =	sbarrier.arrive $0xFFFF  }
0x5f: {  	p0 =	sne.s32 s0, $0x0;
	_ =	strace $0x90000047  }
0x60: {  	s0 =	sadd.s32 @!p0 $0x100000, s1;
	[bflag:$0x2] =	sbarrier.arrive $0xFFFF  }
0x61: {  	[sflag:s0] =	ssyncadd.tile.s32 @!p0 $0x1;
	_ =	shalt  }
.Lfunc_end2:
_tile_overlayer_lowered:
.L_overlay_start_2:
0x62: {  	(tag) =	ssettag $0x2  }
0x63: {  	s0 =	rddreg [dreg:$0x0];
	s2 =	stileid.u32  }
0x64: {  	s1 =	rddreg [dreg:$0x1];
	p0 =	sne.s32 s2, $0x0  }
0x65: {  	s3 =	rddreg [dreg:$0x2];
	[bflag:$0x3] =	sbarrier.arrive $0xFFFF;
	s2 =	simm.s32 @!p0 $0x1C03  }
0x66: {  	[timem:s3], [sflag:s2] =	dma.local @!p0 [hbm:s0], s1  }
0x67: {  	s0 =	simm.s32 @!p0 $0x3  }
0x68: {  	_ =	swait.ge @!p0 [sflag:s0], s1  }
0x69: {  	s1 =	ssub.s32 @!p0 $0x0, s1;
	[sflag:s0] =	ssyncset.done @!p0 $0x0  }
0x6a: {  	[sflag:s0] =	ssyncadd.s32 @!p0 s1  }
0x6b: {  	[bflag:$0x3] =	sbarrier.arrive $0xFFFF  }
0x6c: {  	_ =	shalt  }

</sc_bundles>
